<compile_context>
chip_gen: v7x
topology: tpu7x:2x2x1
jax: 0.10.2.dev20260603
libtpu: 0.0.44.dev20260713+nightly
codegen_flags: <defaults>
</compile_context>

<pallas_src>
import functools

import jax
import jax.numpy as jnp
from jax import lax
from jax.experimental import pallas as pl
from jax.experimental.pallas import tpu as pltpu
from jax.experimental.pallas import tpu_sc as plsc

L = 16
NC = 2
NS = 16
NW = NC * NS


def _lookup_body(V, rows, cols_per_w, idx_hbm, table_hbm, out_hbm,
                 table_v, in_v, out_v):
    wid = lax.axis_index("s") * NC + lax.axis_index("c")
    c0 = wid * cols_per_w
    pltpu.sync_copy(table_hbm, table_v)
    pltpu.sync_copy(idx_hbm.at[:, pl.ds(c0, cols_per_w)], in_v)
    wpr = cols_per_w // L

    @plsc.parallel_loop(0, rows * wpr, 1, unroll=8)
    def _(w):
        r = w // wpr
        c = (w % wpr) * L
        idx = in_v[r, pl.ds(c, L)]
        valid = (idx >= 0) & (idx < V)
        safe = jnp.minimum(jnp.maximum(idx, 0), V - 1)
        vals = plsc.load_gather(table_v, [safe])
        out_v[r, pl.ds(c, L)] = jnp.where(valid, vals, jnp.int32(-1))

    pltpu.sync_copy(out_v, out_hbm.at[:, pl.ds(c0, cols_per_w)])


def kernel(indices, table):
    B, F = indices.shape
    V = table.shape[0]
    cols_per_w = B // NW
    assert cols_per_w * NW == B and cols_per_w % L == 0
    tpad = ((V + L - 1) // L) * L
    table_p = jnp.pad(table, (0, tpad - V))
    idx_t = indices.T

    mesh = plsc.VectorSubcoreMesh(core_axis_name="c", subcore_axis_name="s")
    body = functools.partial(_lookup_body, V, F, cols_per_w)
    out_t = pl.kernel(
        body,
        mesh=mesh,
        compiler_params=pltpu.CompilerParams(
            needs_layout_passes=False, use_tc_tiling_on_sc=True),
        out_type=jax.ShapeDtypeStruct((F, B), jnp.int32),
        scratch_types=[
            pltpu.VMEM((tpad,), jnp.int32),
            pltpu.VMEM((F, cols_per_w), jnp.int32),
            pltpu.VMEM((F, cols_per_w), jnp.int32),
        ],
    )(idx_t, table_p)
    return out_t.T

# --- scband reference (transcript-rebuilt; emitter-appended) ---
"""Pipeline reference for scband-inverse-integer-lookup-69037304316197 (READ-ONLY COPY).

The authoritative reference and input builder live on the scoring server;
editing this copy changes nothing except your own understanding.
"""

import jax, jax.numpy as jnp
import numpy as np

VOCAB = 1000
BATCH = 16384
FIELDS = 100

def setup_inputs(seed: int = 0) -> dict:
    key = jax.random.key(seed)
    # forward arg: integer indices into the vocabulary positions
    indices = jax.random.randint(key, (BATCH, FIELDS), 0, VOCAB, dtype=jnp.int32)
    # the static hash table values: vocabulary tokens, keyed by position 0..VOCAB-1
    table = jnp.arange(VOCAB, dtype=jnp.int32)
    return {"indices": indices, "table": table}

def reference(indices, table):
    # Faithful translation of InverseIntegerLookup.call:
    # StaticHashTable with keys=arange(len(vocab)), values=vocab tokens,
    # default_value = oov_token = -1 for any key not in [0, VOCAB).
    n = table.shape[0]
    valid = (indices >= 0) & (indices < n)
    safe = jnp.clip(indices, 0, n - 1)
    out = jnp.take(table, safe, axis=0)
    return jnp.where(valid, out, jnp.int32(-1))

if __name__ == "__main__":
    import jax
    _d = setup_inputs()
    print(jax.jit(kernel)(*tuple(_d.values())))

</pallas_src>

<mosaic_0001>
#map = affine_map<(d0, d1) -> (0, 0)>
#map1 = affine_map<(d0, d1) -> (0)>
module attributes {stable_mosaic.version = 14 : i64} {
  func.func @_lookup_body(%arg0: i32, %arg1: i32, %arg2: memref<100x16384xi32, #tpu.memory_space<hbm>>, %arg3: memref<1008xi32, #tpu.memory_space<hbm>>, %arg4: memref<100x16384xi32, #tpu.memory_space<hbm>>, %arg5: memref<1008xi32, #tpu.memory_space<vmem>>, %arg6: memref<100x512xi32, #tpu.memory_space<vmem>>, %arg7: memref<100x512xi32, #tpu.memory_space<vmem>>) attributes {dimension_semantics = [#tpu.dimension_semantics<core_parallel>, #tpu.dimension_semantics<subcore_parallel>], iteration_bounds = array<i64: 2, 16>, scalar_prefetch = 0 : i64, scratch_operands = 3 : i64, tpu.core_type = #tpu.core_type<sc_vector_subcore>, window_params = [{transform_indices = #map}, {transform_indices = #map1}, {transform_indices = #map}]} {
    %mul3A = arith.constant 2 : i32
    %mul3A_0 = arith.muli %arg1, %mul3A : i32
    %add3A = arith.addi %mul3A_0, %arg0 : i32
    %mul3A_1 = arith.constant 512 : i32
    %mul3A_2 = arith.muli %add3A, %mul3A_1 : i32
    "tpu.region"() ({
      %run_scoped3A = tpu.sem_alloc : memref<!tpu.dma_semaphore, #tpu.memory_space<semaphore_mem>>
      tpu.enqueue_dma source(%arg3 : memref<1008xi32, #tpu.memory_space<hbm>>) target(%arg5 : memref<1008xi32, #tpu.memory_space<vmem>>) target_semaphore(%run_scoped3A : memref<!tpu.dma_semaphore, #tpu.memory_space<semaphore_mem>>)
      tpu.wait_dma2 semaphore(%run_scoped3A : memref<!tpu.dma_semaphore, #tpu.memory_space<semaphore_mem>>) src(%arg3 : memref<1008xi32, #tpu.memory_space<hbm>>) dst(%arg5 : memref<1008xi32, #tpu.memory_space<vmem>>)
      tpu.yield
    }) : () -> ()
    "tpu.region"() ({
      %run_scoped3A = tpu.sem_alloc : memref<!tpu.dma_semaphore, #tpu.memory_space<semaphore_mem>>
      %dma_start3A = arith.constant 0 : i32
      %dma_start3A_5 = tpu.memref_slice %arg2[%dma_start3A, %mul3A_2] : memref<100x16384xi32, #tpu.memory_space<hbm>> -> memref<100x512xi32, #tpu.memory_space<hbm>>
      %dma_start3A_6 = arith.constant 0 : i32
      %dma_start3A_7 = tpu.memref_slice %arg2[%dma_start3A_6, %mul3A_2] : memref<100x16384xi32, #tpu.memory_space<hbm>> -> memref<100x512xi32, #tpu.memory_space<hbm>>
      tpu.enqueue_dma source(%dma_start3A_7 : memref<100x512xi32, #tpu.memory_space<hbm>>) target(%arg6 : memref<100x512xi32, #tpu.memory_space<vmem>>) target_semaphore(%run_scoped3A : memref<!tpu.dma_semaphore, #tpu.memory_space<semaphore_mem>>)
      %dma_wait3A = arith.constant 0 : i32
      %dma_wait3A_8 = tpu.memref_slice %arg2[%dma_wait3A, %mul3A_2] : memref<100x16384xi32, #tpu.memory_space<hbm>> -> memref<100x512xi32, #tpu.memory_space<hbm>>
      %dma_wait3A_9 = arith.constant 0 : i32
      %dma_wait3A_10 = tpu.memref_slice %arg2[%dma_wait3A_9, %mul3A_2] : memref<100x16384xi32, #tpu.memory_space<hbm>> -> memref<100x512xi32, #tpu.memory_space<hbm>>
      tpu.wait_dma2 semaphore(%run_scoped3A : memref<!tpu.dma_semaphore, #tpu.memory_space<semaphore_mem>>) src(%dma_wait3A_10 : memref<100x512xi32, #tpu.memory_space<hbm>>) dst(%arg6 : memref<100x512xi32, #tpu.memory_space<vmem>>)
      tpu.yield
    }) : () -> ()
    %parallel_loop3A = arith.constant 0 : i32
    %parallel_loop3A_3 = arith.constant 3200 : i32
    %parallel_loop3A_4 = arith.constant 1 : i32
    scf.for %parallel_loop3A_5 = %parallel_loop3A to %parallel_loop3A_3 step %parallel_loop3A_4  : i32 {
      %parallel_loop3A_6 = arith.constant 32 : i32
      %parallel_loop3A_7 = arith.divsi %parallel_loop3A_5, %parallel_loop3A_6 : i32
      %parallel_loop3A_8 = arith.constant 0 : i32
      %parallel_loop3A_9 = arith.cmpi sgt, %parallel_loop3A_5, %parallel_loop3A_8 : i32
      %parallel_loop3A_10 = arith.extui %parallel_loop3A_9 : i1 to i32
      %parallel_loop3A_11 = arith.constant 0 : i32
      %parallel_loop3A_12 = arith.cmpi slt, %parallel_loop3A_5, %parallel_loop3A_11 : i32
      %parallel_loop3A_13 = arith.extui %parallel_loop3A_12 : i1 to i32
      %parallel_loop3A_14 = arith.subi %parallel_loop3A_10, %parallel_loop3A_13 : i32
      %parallel_loop3A_15 = arith.constant 0 : i32
      %parallel_loop3A_16 = arith.cmpi sgt, %parallel_loop3A_6, %parallel_loop3A_15 : i32
      %parallel_loop3A_17 = arith.extui %parallel_loop3A_16 : i1 to i32
      %parallel_loop3A_18 = arith.constant 0 : i32
      %parallel_loop3A_19 = arith.cmpi slt, %parallel_loop3A_6, %parallel_loop3A_18 : i32
      %parallel_loop3A_20 = arith.extui %parallel_loop3A_19 : i1 to i32
      %parallel_loop3A_21 = arith.subi %parallel_loop3A_17, %parallel_loop3A_20 : i32
      %parallel_loop3A_22 = arith.cmpi ne, %parallel_loop3A_14, %parallel_loop3A_21 : i32
      %parallel_loop3A_23 = arith.remsi %parallel_loop3A_5, %parallel_loop3A_6 : i32
      %parallel_loop3A_24 = arith.constant 0 : i32
      %parallel_loop3A_25 = arith.cmpi ne, %parallel_loop3A_23, %parallel_loop3A_24 : i32
      %parallel_loop3A_26 = arith.andi %parallel_loop3A_22, %parallel_loop3A_25 : i1
      %parallel_loop3A_27 = arith.constant 1 : i32
      %parallel_loop3A_28 = arith.subi %parallel_loop3A_7, %parallel_loop3A_27 : i32
      %parallel_loop3A_29 = arith.select %parallel_loop3A_26, %parallel_loop3A_28, %parallel_loop3A_7 : i32
      %parallel_loop3A_30 = arith.constant 32 : i32
      %parallel_loop3A_31 = arith.constant 0 : i32
      %parallel_loop3A_32 = arith.cmpi eq, %parallel_loop3A_30, %parallel_loop3A_31 : i32
      %parallel_loop3A_33 = arith.constant 1 : i32
      %parallel_loop3A_34 = arith.select %parallel_loop3A_32, %parallel_loop3A_33, %parallel_loop3A_30 : i32
      %parallel_loop3A_35 = arith.remsi %parallel_loop3A_5, %parallel_loop3A_34 : i32
      %parallel_loop3A_36 = arith.constant 0 : i32
      %parallel_loop3A_37 = arith.cmpi ne, %parallel_loop3A_35, %parallel_loop3A_36 : i32
      %parallel_loop3A_38 = arith.constant 0 : i32
      %parallel_loop3A_39 = arith.cmpi slt, %parallel_loop3A_35, %parallel_loop3A_38 : i32
      %parallel_loop3A_40 = arith.constant 0 : i32
      %parallel_loop3A_41 = arith.cmpi slt, %parallel_loop3A_34, %parallel_loop3A_40 : i32
      %parallel_loop3A_42 = arith.xori %parallel_loop3A_39, %parallel_loop3A_41 : i1
      %parallel_loop3A_43 = arith.andi %parallel_loop3A_42, %parallel_loop3A_37 : i1
      %parallel_loop3A_44 = arith.addi %parallel_loop3A_35, %parallel_loop3A_34 : i32
      %parallel_loop3A_45 = arith.select %parallel_loop3A_43, %parallel_loop3A_44, %parallel_loop3A_35 : i32
      %parallel_loop3A_46 = arith.constant 16 : i32
      %parallel_loop3A_47 = arith.muli %parallel_loop3A_45, %parallel_loop3A_46 : i32
      %parallel_loop3A_48 = arith.index_cast %parallel_loop3A_29 : i32 to index
      %parallel_loop3A_49 = arith.index_cast %parallel_loop3A_47 : i32 to index
      %parallel_loop3A_50 = tpu.vector_load %arg6[%parallel_loop3A_48, %parallel_loop3A_49] {strides = array<i32>} : memref<100x512xi32, #tpu.memory_space<vmem>>, vector<16xi32>,
      %parallel_loop3A_51 = arith.constant 0 : i32
      %parallel_loop3A_52 = vector.broadcast %parallel_loop3A_51 : i32 to vector<16xi32>
      %parallel_loop3A_53 = arith.cmpi sge, %parallel_loop3A_50, %parallel_loop3A_52 : vector<16xi32>
      %parallel_loop3A_54 = arith.constant 1000 : i32
      %parallel_loop3A_55 = vector.broadcast %parallel_loop3A_54 : i32 to vector<16xi32>
      %parallel_loop3A_56 = arith.cmpi slt, %parallel_loop3A_50, %parallel_loop3A_55 : vector<16xi32>
      %parallel_loop3A_57 = arith.andi %parallel_loop3A_53, %parallel_loop3A_56 : vector<16xi1>
      %parallel_loop3A_58 = arith.constant 0 : i32
      %parallel_loop3A_59 = vector.broadcast %parallel_loop3A_58 : i32 to vector<16xi32>
      %parallel_loop3A_60 = arith.maxsi %parallel_loop3A_50, %parallel_loop3A_59 : vector<16xi32>
      %parallel_loop3A_61 = arith.constant 999 : i32
      %parallel_loop3A_62 = vector.broadcast %parallel_loop3A_61 : i32 to vector<16xi32>
      %parallel_loop3A_63 = arith.minsi %parallel_loop3A_60, %parallel_loop3A_62 : vector<16xi32>
      %parallel_loop3A_64 = tpu.vector_load_idx %arg5[%parallel_loop3A_63] : memref<1008xi32, #tpu.memory_space<vmem>>[vector<16xi32>], vector<16xi32>,
      %parallel_loop3A_65 = arith.constant -1 : i32
      %parallel_loop3A_66 = vector.broadcast %parallel_loop3A_65 : i32 to vector<16xi32>
      %parallel_loop3A_67 = arith.select %parallel_loop3A_57, %parallel_loop3A_64, %parallel_loop3A_66 : vector<16xi1>, vector<16xi32>
      %parallel_loop3A_68 = arith.index_cast %parallel_loop3A_29 : i32 to index
      %parallel_loop3A_69 = arith.index_cast %parallel_loop3A_47 : i32 to index
      %parallel_loop3A_70 = tpu.vector_load %arg7[%parallel_loop3A_68, %parallel_loop3A_69] {strides = array<i32>} : memref<100x512xi32, #tpu.memory_space<vmem>>, vector<16xi32>,
      tpu.vector_store %arg7[%parallel_loop3A_68, %parallel_loop3A_69], %parallel_loop3A_67 {strides = array<i32>} : memref<100x512xi32, #tpu.memory_space<vmem>>, vector<16xi32>,
    } {sc.loop_unroll_factor = 8 : i64, sc.parallel_access}
    "tpu.region"() ({
      %run_scoped3A = tpu.sem_alloc : memref<!tpu.dma_semaphore, #tpu.memory_space<semaphore_mem>>
      %dma_start3A = arith.constant 0 : i32
      %dma_start3A_5 = tpu.memref_slice %arg4[%dma_start3A, %mul3A_2] : memref<100x16384xi32, #tpu.memory_space<hbm>> -> memref<100x512xi32, #tpu.memory_space<hbm>>
      %dma_start3A_6 = arith.constant 0 : i32
      %dma_start3A_7 = tpu.memref_slice %arg4[%dma_start3A_6, %mul3A_2] : memref<100x16384xi32, #tpu.memory_space<hbm>> -> memref<100x512xi32, #tpu.memory_space<hbm>>
      tpu.enqueue_dma source(%arg7 : memref<100x512xi32, #tpu.memory_space<vmem>>) target(%dma_start3A_7 : memref<100x512xi32, #tpu.memory_space<hbm>>) target_semaphore(%run_scoped3A : memref<!tpu.dma_semaphore, #tpu.memory_space<semaphore_mem>>)
      %dma_wait3A = arith.constant 0 : i32
      %dma_wait3A_8 = tpu.memref_slice %arg4[%dma_wait3A, %mul3A_2] : memref<100x16384xi32, #tpu.memory_space<hbm>> -> memref<100x512xi32, #tpu.memory_space<hbm>>
      %dma_wait3A_9 = arith.constant 0 : i32
      %dma_wait3A_10 = tpu.memref_slice %arg4[%dma_wait3A_9, %mul3A_2] : memref<100x16384xi32, #tpu.memory_space<hbm>> -> memref<100x512xi32, #tpu.memory_space<hbm>>
      tpu.wait_dma2 semaphore(%run_scoped3A : memref<!tpu.dma_semaphore, #tpu.memory_space<semaphore_mem>>) src(%arg7 : memref<100x512xi32, #tpu.memory_space<vmem>>) dst(%dma_wait3A_10 : memref<100x512xi32, #tpu.memory_space<hbm>>)
      tpu.yield
    }) : () -> ()
    return
  }
}

</mosaic_0001>

<sc_bundles>
// kernel: kernel.3.cloned.1.call-start
scs
__scs_entry_jumppad:
0x0: {  	(pc) =	sbr.rel $0x88, $3  }
0x1: {  	(tag) =	ssettag $0x0;
	lr =	simm.s32 $0x1  }
0x2: {  	[smem:$0x3F9F] =	sst lr;
	_ =	strace $0xD0000000  }
0x3: {  	_ = 	snop  }
0x4: {  	_ = 	snop  }
0x5: {  	_ = 	snop  }
0x6: {  	_ = 	snop  }
0x7: {  	_ = 	snop  }
__scs_overlays_trampoline_lowered:
0x8: {  	[smem:$0x3FAE] =	sst s0  }
0x9: {  	[smem:$0x3FAF] =	sst s1  }
0xa: {  	[smem:$0x3FB0] =	sst s2  }
0xb: {  	[smem:$0x3FB1] =	sst s3  }
0xc: {  	[smem:$0x3FB2] =	sst s4  }
0xd: {  	[smem:$0x3FB3] =	sst s5  }
0xe: {  	[smem:$0x3FB4] =	sst s6  }
0xf: {  	[smem:$0x3FB5] =	sst s7  }
0x10: {  	[smem:$0x3FB6] =	sst s8  }
0x11: {  	[smem:$0x3FB7] =	sst s9;
	s0 =	simm.s32 @!p0 $0x0  }
0x12: {  	s1 =	sld [smem:$0x3F9D];
	s0 =	simm.s32 @p0 $0x1  }
0x13: {  	[smem:$0x3FB8] =	sst s0;
	s0 =	simm.s32 @!p1 $0x0  }
0x14: {  	s2 =	sld [smem:$0x3F9C];
	s0 =	simm.s32 @p1 $0x1  }
0x15: {  	[smem:$0x3FB9] =	sst s0;
	s0 =	simm.s32 @!p2 $0x0  }
0x16: {  	s3 =	sld [smem:$0x3FDB];
	s0 =	simm.s32 @p2 $0x1  }
0x17: {  	s4 =	simm.s32 $0x1BF5;
	[smem:$0x3FBB] =	sst s0  }
0x18: {  	s0 =	sld [smem:$0x3F9E];
	_ =	swait.ge [sflag:s4], $0x0  }
0x19: {  	s7 =	sld [smem:$0x3F9F]  }
0x1a: {  	s8 =	sadd.s32 $0xFFFFE003, lr  }
0x1b: {  	s9 =	sadd.s32 $0xFFFFFEF7, lr;
	s5 =	simm.s32 $0xFFFFFFFF;
	p2 =	slt.u32 s8, $0xFFFFF086  }
0x1c: {  	p1 =	slt.u32 s9, $0xF7A;
	s5 =	simm.s32 @!p2 $0x0  }
0x1d: {  	s5 =	simm.s32 @p1 $0x1;
	p0 =	seq.s32 s7, s2  }
0x1e: {  	s7 =	smul.u32 @!p0 $0xF7A, s2;
	p2 =	seq.s32 @!p0 s5, $0x0  }
0x1f: {  	s9 =	smul.u32 $0xF7A, s1;
	s8 =	simm.s32 @!p0 $0x1BF5;
	p2 =	por !p2, p0  }
0x20: {  	[sflag:s8] =	ssyncset.s32 @!p0 $0xFFFFF086;
	s6 =	sadd.s32 @!p0 s3, s7;
	s7 =	simm.s32 @!p0 $0x108  }
0x21: {  	s3 =	sadd.s32 s3, s9;
	s6 =	sadd.s32 @!p0 $0x88, s6;
	s7 =	simm.s32 @p2 $0x1082  }
0x22: {  	[simem:s7], [sflag:s8] =	dma.local @!p0 [hbm:s6], $0xF7A  }
0x23: {  	s9 =	sor.u32 $0xD0000000, s2;
	s6 =	simm.s32 $0x108;
	_ =	swait.ge @!p0 [sflag:s8], $0x0  }
0x24: {  	s3 =	sadd.s32 $0x88, s3;
	s6 =	simm.s32 @!p1 $0x1082;
	[sflag:s4] =	ssyncset.s32 $0xFFFFF086  }
0x25: {  	[simem:s6], [sflag:s4] =	dma.local [hbm:s3], $0xF7A  }
0x26: {  	[smem:$0x3F9F] =	sst s1;
	(tag) =	ssettag s2;
	_ =	strace s9  }
0x27: {  	s1 =	sld [smem:$0x3FAF]  }
0x28: {  	s2 =	sld [smem:$0x3FB0]  }
0x29: {  	s4 =	sld [smem:$0x3FB2]  }
0x2a: {  	p0 =	seq.s32 s5, $0x0;
	s5 =	sld [smem:$0x3FB3]  }
0x2b: {  	s6 =	sld [smem:$0x3FB4]  }
0x2c: {  	s7 =	sld [smem:$0x3FB5]  }
0x2d: {  	s3 =	simm.s32 $0x108;
	s8 =	sld [smem:$0x3FB6]  }
0x2e: {  	s3 =	simm.s32 @!p0 $0x1082;
	s9 =	sld [smem:$0x3FB7]  }
0x2f: {  	lr =	sadd.s32 s0, s3;
	s0 =	sld [smem:$0x3FAE]  }
0x30: {  	s3 =	sld [smem:$0x3FB1]  }
0x31: {  	[smem:$0x3FBA] =	sst s10  }
0x32: {  	s10 =	sld [smem:$0x3FB8];
	_ =	sdelay $0x3  }
0x33: {  	p0 =	seq.s32 s10, $0x1;
	s10 =	sld [smem:$0x3FBA];
	_ =	sdelay $0x3  }
0x34: {  	[smem:$0x3FBA] =	sst s10  }
0x35: {  	s10 =	sld [smem:$0x3FB9];
	_ =	sdelay $0x3  }
0x36: {  	p1 =	seq.s32 s10, $0x1;
	s10 =	sld [smem:$0x3FBA];
	_ =	sdelay $0x3  }
0x37: {  	[smem:$0x3FBA] =	sst s10  }
0x38: {  	s10 =	sld [smem:$0x3FBB]  }
0x39: {  	_ = 	snop;
	(pc) =	sbr.ind lr, $3  }
0x3a: {  	_ = 	snop  }
0x3b: {  	_ = 	snop  }
0x3c: {  	p2 =	seq.s32 s10, $0x1;
	s10 =	sld [smem:$0x3FBA]  }
0x3d: {  	_ =	shalt  }
0x3e: {  	_ =	shalt  }
0x3f: {  	_ =	shalt  }
0x40: {  	_ =	shalt  }
0x41: {  	_ =	shalt  }
0x42: {  	_ =	shalt  }
0x43: {  	_ =	shalt  }
0x44: {  	_ =	shalt  }
0x45: {  	_ =	shalt  }
0x46: {  	_ =	shalt  }
0x47: {  	_ =	shalt  }
0x48: {  	_ =	shalt  }
0x49: {  	_ =	shalt  }
0x4a: {  	_ =	shalt  }
0x4b: {  	_ =	shalt  }
0x4c: {  	_ =	shalt  }
0x4d: {  	_ =	shalt  }
0x4e: {  	_ =	shalt  }
0x4f: {  	_ =	shalt  }
0x50: {  	_ =	shalt  }
0x51: {  	_ =	shalt  }
0x52: {  	_ =	shalt  }
0x53: {  	_ =	shalt  }
0x54: {  	_ =	shalt  }
0x55: {  	_ =	shalt  }
0x56: {  	_ =	shalt  }
0x57: {  	_ =	shalt  }
0x58: {  	_ =	shalt  }
0x59: {  	_ =	shalt  }
0x5a: {  	_ =	shalt  }
0x5b: {  	_ =	shalt  }
0x5c: {  	_ =	shalt  }
0x5d: {  	_ =	shalt  }
0x5e: {  	_ =	shalt  }
0x5f: {  	_ =	shalt  }
0x60: {  	_ =	shalt  }
0x61: {  	_ =	shalt  }
0x62: {  	_ =	shalt  }
0x63: {  	_ =	shalt  }
0x64: {  	_ =	shalt  }
0x65: {  	_ =	shalt  }
0x66: {  	_ =	shalt  }
0x67: {  	_ =	shalt  }
0x68: {  	_ =	shalt  }
0x69: {  	_ =	shalt  }
0x6a: {  	_ =	shalt  }
0x6b: {  	_ =	shalt  }
0x6c: {  	_ =	shalt  }
0x6d: {  	_ =	shalt  }
0x6e: {  	_ =	shalt  }
0x6f: {  	_ =	shalt  }
0x70: {  	_ =	shalt  }
0x71: {  	_ =	shalt  }
0x72: {  	_ =	shalt  }
0x73: {  	_ =	shalt  }
0x74: {  	_ =	shalt  }
0x75: {  	_ =	shalt  }
0x76: {  	_ =	shalt  }
0x77: {  	_ =	shalt  }
0x78: {  	_ =	shalt  }
0x79: {  	_ =	shalt  }
0x7a: {  	_ =	shalt  }
0x7b: {  	_ =	shalt  }
0x7c: {  	_ =	shalt  }
0x7d: {  	_ =	shalt  }
0x7e: {  	_ =	shalt  }
0x7f: {  	_ =	shalt  }
0x80: {  	_ =	shalt  }
0x81: {  	_ =	shalt  }
0x82: {  	_ =	shalt  }
0x83: {  	_ =	shalt  }
0x84: {  	_ =	shalt  }
0x85: {  	_ =	shalt  }
0x86: {  	_ =	shalt  }
0x87: {  	_ =	shalt  }
.Lfunc_end0:
.L_simem_size_0:
called_computation_lowered:
.L_overlay_start_0:
0x88: {  	s2 =	sld [smem:$0x3FD9]  }
0x89: {  	s3 =	sld [smem:$0x3FFE];
	_ =	sdelay $0x1  }
0x8a: {  	s1 =	srdreg.scid  }
0x8b: {  	s0 =	sand.u32 $0x1, s1  }
0x8c: {  	s17 =	sshll.u32 s0, $0xA;
	s2 =	sadd.s32 s3, s2  }
0x8d: {  	s2 =	sadd.s32 s2, s17  }
0x8e: {  	[smem:$0x3FC6] =	sst s2  }
0x8f: {  	_ = 	snop  }
0x90: {  	s2 =	sld [smem:$0x3FC9]  }
0x91: {  	s18 =	sld [smem:$0x3FD0];
	(tm) =	ssettm $0x1  }
0x92: {  	s4 =	sld [smem:$0x3FFB];
	_ =	sdelay $0x3  }
0x93: {  	_ =	strace s4  }
0x94: {  	s4 =	sld [smem:$0x3FFC];
	_ =	sdelay $0x3  }
0x95: {  	_ =	strace s4  }
0x96: {  	s4 =	sld [smem:$0x3FFD];
	_ =	sdelay $0x3  }
0x97: {  	_ =	strace s4  }
0x98: {  	_ =	strace $0x8FFFFFFF  }
0x99: {  	s19 =	sld [smem:$0x3FDB];
	_ =	sdelay $0x1  }
0x9a: {  	s5 =	simm.s32 $_scs_section_size  }
0x9b: {  	s6 =	simm.s32 $_size__tile_overlayer_lowered;
	s7 =	simm.s32 $_tile_overlayer_lowered  }
0x9c: {  	s22 =	simm.s32 $0x1BFF;
	s21 =	sshll.u32 s7, $0x1;
	s4 =	sadd.s32 s5, s19  }
0x9d: {  	s8 =	simm.s32 $0x0;
	s20 =	sshll.u32 s6, $0x1;
	s6 =	sadd.s32 s21, s4  }
0x9e: {  	[timem:s8], [sflag:s22] =	dma.local [hbm:s6], s20  }
0x9f: {  	_ =	swait.ge [sflag:s22], s20  }
0xa0: {  	s5 =	ssub.s32 $0x0, s20;
	[sflag:s22] =	ssyncset.done $0x0  }
0xa1: {  	[sflag:s22] =	ssyncadd.s32 s5;
	_ =	sdelay $0x1  }
0xa2: {  	s23 =	simm.s32 $0x1B8B  }
0xa3: {  	_ =	swait.ge [sflag:s23], $0x1  }
0xa4: {  	[sflag:s23] =	ssyncset.done $0x0  }
0xa5: {  	s25 =	simm.s32 $0x1B8E;
	s24 =	sld [smem:$0x3FFE];
	[sflag:s23] =	ssyncadd.s32 $0xFFFFFFFF  }
0xa6: {  	s26 =	simm.s32 $execute0_lowered;
	[smem:$0x3FD2] =	sst s25  }
0xa7: {  	s6 =	sshll.u32 s26, $0x1;
	_ =	strace $0x80000046;
	[dreg:$0x1] =	wrdreg $0xFFFFFFFF  }
0xa8: {  	s28 =	simm.s32 $_size_execute0_lowered;
	s4 =	sadd.s32 s4, s6;
	[dreg:$0x0] =	wrdreg $0x0  }
0xa9: {  	s6 =	sshll.u32 s28, $0x1;
	[dreg:$0x2] =	wrdreg s4  }
0xaa: {  	[dreg:$0x3] =	wrdreg s6  }
0xab: {  	[dreg:$0x4] =	wrdreg $0xC0  }
0xac: {  	_ =	task [dreg:s8], $0x5FFFF  }
0xad: {  	[dreg:$0x1] =	wrdreg $0xFFFFFFFF  }
0xae: {  	[dreg:$0x0] =	wrdreg $0x60  }
0xaf: {  	[dreg:$0x2] =	wrdreg s2  }
0xb0: {  	[dreg:$0x3] =	wrdreg s24  }
0xb1: {  	[dreg:$0x4] =	wrdreg s18  }
0xb2: {  	[dreg:$0x5] =	wrdreg $0x9  }
0xb3: {  	_ =	task.clear_ibuf [dreg:s8], $0x6FFFF;
	_ =	strace $0x90000046  }
0xb4: {  	s29 =	simm.s32 $0x9;
	_ =	strace $0x80000048  }
0xb5: {  	_ =	swait.ge [sflag:s29], $0x1  }
0xb6: {  	[sflag:s29] =	ssyncadd.s32 $0xFFFFFFFF  }
0xb7: {  	_ =	strace $0x90000048  }
0xb8: {  	_ =	sfence  }
0xb9: {  	s30 =	sld [smem:$0x0];
	_ =	sdelay $0x2  }
0xba: {  	s31 =	sshll.u32 s1, $0xD;
	s1 =	sshrl.u32 s1, $0x2  }
0xbb: {  	s3 =	sand.u32 $0x4000, s31;
	s1 =	sadd.s32 s1, s30  }
0xbc: {  	s0 =	sor.u32 s3, s0;
	s1 =	sshll.u32 s1, $0x11  }
0xbd: {  	s0 =	sor.u32 s1, s0  }
0xbe: {  	s0 =	sadd.s32 $0x8F2B, s0  }
0xbf: {  	[sflag:s0] =	ssyncadd.remote.s32 $0x1  }
0xc0: {  	_ =	sfence.sel $0xFFFF  }
0xc1: {  	[dreg:$0x0] =	wrdreg $0xFFFFFFFF;
	(pc) =	sbr.abs _section_cstart, $3  }
0xc2: {  	[dreg:$0x1] =	wrdreg $0xFFFFFFFF  }
0xc3: {  	_ =	task.clear_ibuf [dreg:s8], $0x2FFFF;
	_ =	strace $0x9FFFFFFF  }
0xc4: {  	(tm) =	ssettm $0x7FFFFFFF  }
0xc5: {  	_ =	shalt  }
tec
execute0_lowered:
.L_overlay_start_1:
0x0: {  	(tag) =	ssettag $0x1  }
0x1: {  	s4 =	rddreg [dreg:$0x0]  }
0x2: {  	s3 =	rddreg [dreg:$0x1]  }
0x3: {  	s5 =	rddreg [dreg:$0x2]  }
0x4: {  	s0 =	rddreg [dreg:$0x3];
	s1 =	simm.s32 $0x0  }
0x5: {  	s2 =	srdreg.scid;
	s10 =	simm.s32 $0x400;
	s11 =	simm.s32 $0xD400  }
0x6: {  	s12 =	simm.s32 $0x0;
	[smem:$0x7FF] =	sst s1;
	s6 =	sand.u32 $0x1, s2  }
0x7: {  	s2 =	stileid.u32;
	s3 =	sadd.s32 $0x400, s3;
	_ =	strace $0x80000047  }
0x8: {  	s7 =	ssub.s32 $0x2, s6;
	s9 =	sshll.u32 s2, $0xA;
	s6 =	sshll.u32 s6, $0x9  }
0x9: {  	s8 =	sshrl.u32 s7, $0x1;
	s6 =	sor.u32 s6, s9;
	s9 =	simm.s32 $0x20000  }
0xa: {  	s7 =	ssub.s32 s7, s8;
	s4 =	sadd.s32 s4, s6;
	s5 =	sadd.s32 s5, s6  }
0xb: {  	s8 =	simm.s32 $0x1000;
	s6 =	smax.u32 s7, $0x1;
	s7 =	simm.s32 $0x1  }
.LBB2_1:
0xc: {  	[tilespmem:s1], [sflag:$0x1] =	stream.linear.gather [hbm4b:s3+s1], $0x400, $0x38;
	[tilespmem:$0x1A400] =	vst v63  }
0xd: {  	_ =	swait.ge [sflag:s7], $0x400  }
0xe: {  	[sflag:s7] =	ssyncset.done $0x0  }
0xf: {  	s13 =	simm.s32 $0x0;
	s14 =	sand.u32 $0xC00, s1;
	[sflag:s7] =	ssyncadd.s32 $0xFFFFFC00  }
0x10: {  	[tilespmem:s10], [sflag:$0x1] =	stream.strided.gather [hbm4b:s4+s8], $0xD000, s9, s8, $0x38;
	[tilespmem:$0x1A400] =	vst v63  }
0x11: {  	s15 =	simm.s32 $0x0;
	s13 =	sand.u32 $0xF000, s13;
	_ =	swait.ge [sflag:s7], $0xD000  }
0x12: {  	s29 =	sand.u32 $0x380, s15;
	s13 =	sor.u32 s14, s13;
	[sflag:s7] =	ssyncset.done $0x0  }
0x13: {  	s13 =	sor.u32 s29, s13;
	[sflag:s7] =	ssyncadd.s32 $0xFFFF3000  }
0x14: {  	v2 =	vld [tilespmem:s13+$0x470]  }
0x15: {  	v0 =	vld [tilespmem:s13+$0x400]  }
0x16: {  	v1 =	vld [tilespmem:s13+$0x410]  }
0x17: {  	v3 =	vld [tilespmem:s13+$0x420]  }
0x18: {  	v6 =	vld [tilespmem:s13+$0x440]  }
0x19: {  	vm0 =	vgt.s32 v2, $0x0  }
0x1a: {  	s30 =	simm.s32 $0x80;
	s15 =	simm.s32 $0x400;
	v9 =	vld [tilespmem:s13+$0x450];
	vm1 =	vgt.s32 v0, $0x0;
	v5 =	vnsel vm0, $0x0, v2  }
0x1b: {  	s17 =	simm.s32 $0x20;
	s14 =	sand.u32 $0xF000, s30;
	s16 =	sand.u32 $0xC00, s15;
	v11 =	vld [tilespmem:s13+$0x460];
	v7 =	vnsel vm1, $0x0, v0;
	vm0 =	vgt.s32 v1, $0x0;
	v5 =	vmin.u32 v5, $0x3E7  }
0x1c: {  	s31 =	sand.u32 $0x380, s17;
	s14 =	sor.u32 s16, s14;
	v4 =	vld [tilespmem:s13+$0x430];
	v7 =	vmin.u32 v7, $0x3E7;
	v8 =	vnsel vm0, $0x0, v1;
	vm0 =	vgt.s32 v3, $0x0  }
0x1d: {  	s14 =	sor.u32 s31, s14;
	vm2 =	vgt.s32 v6, $0x0;
	v8 =	vmin.u32 v8, $0x3E7;
	v10 =	vnsel vm0, $0x0, v3  }
0x1e: {  	vm4 =	vlt.u32 v1, $0x3E8;
	v12 =	vnsel vm2, $0x0, v6;
	v1 =	vld [tilespmem:s14+$0x470];
	v10 =	vmin.u32 v10, $0x3E7  }
0x1f: {  	vm5 =	vlt.u32 v3, $0x3E8;
	v15 =	vmin.u32 v12, $0x3E7;
	v12 =	vld [tilespmem:s14+$0x400]  }
0x20: {  	vm3 =	vlt.u32 v6, $0x3E8;
	vm6 =	vlt.u32 v9, $0x3E8;
	vm7 =	vlt.u32 v11, $0x3E8;
	v5 =	vld.idx.msk [tilespmem:v5+s1+$0x0], $0xffff  }
0x21: {  	vm8 =	vlt.u32 v2, $0x3E8;
	vm1 =	vgt.s32 v4, $0x0;
	vm3 =	vmmov vm3;
	v7 =	vld.idx.msk [tilespmem:v7+s1+$0x0], $0xffff  }
0x22: {  	vm0 =	vlt.u32 v0, $0x3E8;
	v0 =	vnsel vm1, $0x0, v4;
	vm1 =	vgt.s32 v9, $0x0;
	v8 =	vld.idx.msk [tilespmem:v8+s1+$0x0], $0xffff  }
0x23: {  	v13 =	vmin.u32 v0, $0x3E7;
	v0 =	vnsel vm1, $0x0, v9;
	vm1 =	vgt.s32 v11, $0x0;
	v10 =	vld.idx.msk [tilespmem:v10+s1+$0x0], $0xffff  }
0x24: {  	v16 =	vmin.u32 v0, $0x3E7;
	v0 =	vnsel vm1, $0x0, v11;
	vm1 =	vlt.u32 v4, $0x3E8;
	v4 =	vld [tilespmem:s14+$0x410]  }
0x25: {  	v3 =	vld [tilespmem:s14+$0x420];
	v0 =	vmin.u32 v0, $0x3E7;
	vm2 =	vmmov vm1;
	vm1 =	vmmov vm6  }
0x26: {  	vm6 =	vgt.s32 v1, $0x0;
	v9 =	vnsel vm8, $0xFFFFFFFF, v5;
	v11 =	vnsel vm0, $0xFFFFFFFF, v7;
	v5 =	vld [tilespmem:s14+$0x430]  }
0x27: {  	v2 =	vld [tilespmem:s14+$0x440];
	vm0 =	vmmov vm7;
	v17 =	vnsel vm4, $0xFFFFFFFF, v8;
	vm4 =	vlt.u32 v12, $0x3E8  }
0x28: {  	v6 =	vld [tilespmem:s14+$0x450];
	v8 =	vnsel vm6, $0x0, v1;
	v18 =	vnsel vm5, $0xFFFFFFFF, v10;
	vm5 =	vgt.s32 v12, $0x0  }
0x29: {  	v7 =	vld [tilespmem:s14+$0x460];
	[tilespmem:s13+$0xD470] =	vst v9;
	v14 =	vmin.u32 v8, $0x3E7;
	v9 =	vnsel vm5, $0x0, v12;
	vm5 =	vgt.s32 v4, $0x0  }
0x2a: {  	[tilespmem:s13+$0xD400] =	vst v11;
	v8 =	vld.idx.msk [tilespmem:v13+s1+$0x0], $0xffff;
	v11 =	vmin.u32 v9, $0x3E7;
	v9 =	vnsel vm5, $0x0, v4;
	vm5 =	vgt.s32 v3, $0x0  }
0x2b: {  	[tilespmem:s13+$0xD410] =	vst v17;
	v10 =	vld.idx.msk [tilespmem:v15+s1+$0x0], $0xffff;
	v12 =	vmin.u32 v9, $0x3E7;
	v9 =	vnsel vm5, $0x0, v3;
	vm5 =	vgt.s32 v5, $0x0  }
0x2c: {  	s16 =	simm.s32 $0x8;
	[tilespmem:s13+$0xD420] =	vst v18;
	v13 =	vmin.u32 v9, $0x3E7;
	v15 =	vnsel vm5, $0x0, v5;
	vm5 =	vgt.s32 v2, $0x0;
	v9 =	vld.idx.msk [tilespmem:v16+s1+$0x0], $0xffff  }
.LBB2_2:
0x2d: {  	s16 =	sadd.s32 $0x8, s16;
	v15 =	vmin.u32 v15, $0x3E7;
	v16 =	vnsel vm5, $0x0, v2;
	vm5 =	vgt.s32 v6, $0x0;
	v17 =	vld.idx.msk [tilespmem:v0+s1+$0x0], $0xffff  }
0x2e: {  	s15 =	sadd.s32 $0x400, s15;
	s17 =	sshll.u32 s16, $0x4;
	p0 =	slt.u32 s16, $0xC78;
	v16 =	vmin.u32 v16, $0x3E7;
	v0 =	vnsel vm5, $0x0, v6;
	vm6 =	vgt.s32 v7, $0x0;
	v14 =	vld.idx.msk [tilespmem:v14+s1+$0x0], $0xffff  }
0x2f: {  	s18 =	sand.u32 $0xC00, s15;
	s19 =	sshll.u32 s16, $0x2;
	vm5 =	vlt.u32 v4, $0x3E8;
	s17 =	sand.u32 $0xF000, s17;
	v11 =	vld.idx.msk [tilespmem:v11+s1+$0x0], $0xffff;
	v18 =	vmin.u32 v0, $0x3E7;
	v0 =	vnsel vm6, $0x0, v7  }
0x30: {  	vm7 =	vlt.u32 v5, $0x3E8;
	vm6 =	vlt.u32 v3, $0x3E8;
	s17 =	sor.u32 s18, s17;
	s18 =	sand.u32 $0x380, s19;
	v12 =	vld.idx.msk [tilespmem:v12+s1+$0x0], $0xffff;
	v0 =	vmin.u32 v0, $0x3E7  }
0x31: {  	vm8 =	vlt.u32 v2, $0x3E8;
	vm9 =	vlt.u32 v6, $0x3E8;
	vm10 =	vlt.u32 v7, $0x3E8;
	s17 =	sor.u32 s18, s17;
	v13 =	vld.idx.msk [tilespmem:v13+s1+$0x0], $0xffff  }
0x32: {  	v2 =	vnsel vm2, $0xFFFFFFFF, v8;
	v3 =	vnsel vm3, $0xFFFFFFFF, v10;
	v8 =	vnsel vm1, $0xFFFFFFFF, v9;
	v6 =	vld [tilespmem:s17+$0x470]  }
0x33: {  	vm2 =	vmmov vm7;
	vm1 =	vlt.u32 v1, $0x3E8;
	v9 =	vnsel vm0, $0xFFFFFFFF, v17;
	v7 =	vld [tilespmem:s17+$0x400];
	[tilespmem:s13+$0xD430] =	vst v2  }
0x34: {  	vm3 =	vmmov vm8;
	v1 =	vnsel vm1, $0xFFFFFFFF, v14;
	vm1 =	vmmov vm9;
	v4 =	vld [tilespmem:s17+$0x410];
	[tilespmem:s13+$0xD440] =	vst v3  }
0x35: {  	vm0 =	vmmov vm10;
	v2 =	vnsel vm4, $0xFFFFFFFF, v11;
	v3 =	vld [tilespmem:s17+$0x420];
	[tilespmem:s14+$0xD470] =	vst v1  }
0x36: {  	v11 =	vnsel vm5, $0xFFFFFFFF, v12;
	v5 =	vld [tilespmem:s17+$0x430];
	[tilespmem:s14+$0xD400] =	vst v2  }
0x37: {  	v10 =	vnsel vm6, $0xFFFFFFFF, v13;
	v2 =	vld [tilespmem:s17+$0x440];
	vm5 =	vgt.s32 v6, $0x0;
	[tilespmem:s14+$0xD410] =	vst v11;
	v1 =	vmov v6  }
.Ltmp0:
0x38: {  	vm4 =	vlt.u32 v7, $0x3E8;
	vm6 =	vgt.s32 v7, $0x0;
	v6 =	vld [tilespmem:s17+$0x450];
	v11 =	vnsel vm5, $0x0, v1;
	[tilespmem:s14+$0xD420] =	vst v10;
	(pc) =	sbr.rel @p0 .LBB2_2-.Ltmp0, $4  }
0x39: {  	v10 =	vnsel vm6, $0x0, v7;
	vm5 =	vgt.s32 v4, $0x0;
	v7 =	vld [tilespmem:s17+$0x460];
	v14 =	vmin.u32 v11, $0x3E7;
	[tilespmem:s13+$0xD450] =	vst v8  }
0x3a: {  	v11 =	vmin.u32 v10, $0x3E7;
	v10 =	vnsel vm5, $0x0, v4;
	vm5 =	vgt.s32 v3, $0x0;
	v8 =	vld.idx.msk [tilespmem:v15+s1+$0x0], $0xffff;
	[tilespmem:s13+$0xD460] =	vst v9;
	s13 =	smov.u32 s14;
	s14 =	smov.u32 s17  }
0x3b: {  	v12 =	vmin.u32 v10, $0x3E7;
	v9 =	vnsel vm5, $0x0, v3;
	vm5 =	vgt.s32 v5, $0x0;
	v10 =	vld.idx.msk [tilespmem:v16+s1+$0x0], $0xffff  }
0x3c: {  	v13 =	vmin.u32 v9, $0x3E7;
	v15 =	vnsel vm5, $0x0, v5;
	vm5 =	vgt.s32 v2, $0x0;
	v9 =	vld.idx.msk [tilespmem:v18+s1+$0x0], $0xffff  }
0x3d: {  	_ =	sdelay $0x3  }
0x3e: {  	v14 =	vld.idx.msk [tilespmem:v14+s1+$0x0], $0xffff;
	v15 =	vmin.u32 v15, $0x3E7;
	v16 =	vnsel vm5, $0x0, v2;
	vm14 =	vgt.s32 v6, $0x0  }
0x3f: {  	v11 =	vld.idx.msk [tilespmem:v11+s1+$0x0], $0xffff;
	v16 =	vmin.u32 v16, $0x3E7;
	v17 =	vnsel vm14, $0x0, v6;
	vm15 =	vgt.s32 v7, $0x0  }
0x40: {  	v12 =	vld.idx.msk [tilespmem:v12+s1+$0x0], $0xffff;
	v17 =	vmin.u32 v17, $0x3E7;
	v18 =	vnsel vm15, $0x0, v7;
	v8 =	vnsel vm2, $0xFFFFFFFF, v8  }
0x41: {  	v13 =	vld.idx.msk [tilespmem:v13+s1+$0x0], $0xffff;
	v52 =	vmin.u32 v18, $0x3E7;
	v10 =	vnsel vm3, $0xFFFFFFFF, v10;
	[tilespmem:s13+$0xD430] =	vst v8  }
0x42: {  	vm8 =	vlt.u32 v1, $0x3E8;
	v0 =	vld.idx.msk [tilespmem:v0+s1+$0x0], $0xffff;
	[tilespmem:s13+$0xD440] =	vst v10;
	v60 =	vnsel vm1, $0xFFFFFFFF, v9  }
0x43: {  	v53 =	vnsel vm8, $0xFFFFFFFF, v14;
	v55 =	vld.idx.msk [tilespmem:v15+s1+$0x0], $0xffff;
	[tilespmem:s13+$0xD450] =	vst v60  }
0x44: {  	vm9 =	vlt.u32 v4, $0x3E8;
	v54 =	vnsel vm4, $0xFFFFFFFF, v11;
	[tilespmem:s14+$0xD470] =	vst v53;
	v57 =	vld.idx.msk [tilespmem:v16+s1+$0x0], $0xffff  }
0x45: {  	vm10 =	vlt.u32 v3, $0x3E8;
	v56 =	vnsel vm9, $0xFFFFFFFF, v12;
	[tilespmem:s14+$0xD400] =	vst v54;
	v59 =	vld.idx.msk [tilespmem:v17+s1+$0x0], $0xffff  }
0x46: {  	vm11 =	vlt.u32 v5, $0x3E8;
	v58 =	vnsel vm10, $0xFFFFFFFF, v13;
	[tilespmem:s14+$0xD410] =	vst v56;
	v1 =	vld.idx.msk [tilespmem:v52+s1+$0x0], $0xffff  }
0x47: {  	vm12 =	vlt.u32 v2, $0x3E8;
	vm13 =	vmmov vm11;
	v0 =	vnsel vm0, $0xFFFFFFFF, v0;
	[tilespmem:s14+$0xD420] =	vst v58  }
0x48: {  	vm14 =	vlt.u32 v6, $0x3E8;
	vm1 =	vmmov vm12;
	[tilespmem:s13+$0xD460] =	vst v0;
	v61 =	vnsel vm13, $0xFFFFFFFF, v55  }
0x49: {  	vm15 =	vlt.u32 v7, $0x3E8;
	vm2 =	vmmov vm14;
	v62 =	vnsel vm1, $0xFFFFFFFF, v57;
	[tilespmem:s14+$0xD430] =	vst v61  }
0x4a: {  	s12 =	sadd.s32 $0x1, s12;
	vm0 =	vmmov vm15;
	v63 =	vnsel vm2, $0xFFFFFFFF, v59;
	[tilespmem:s14+$0xD440] =	vst v62  }
0x4b: {  	p0 =	sne.s32 s12, s6;
	v1 =	vnsel vm0, $0xFFFFFFFF, v1;
	[tilespmem:s14+$0xD450] =	vst v63  }
.Ltmp1:
0x4c: {  	[tilespmem:s14+$0xD460] =	vst v1;
	(pc) =	sbr.rel @p0 .LBB2_1-.Ltmp1, $4  }
0x4d: {  	[hbm4b:s5+s8] =	stream.strided.scatter [tilespmem:s11], [sflag:$0x1], $0xD000, s9, s8, $0x38;
	[tilespmem:$0x1A400] =	vst v63  }
0x4e: {  	_ =	swait.ge [sflag:s7], $0xD000  }
0x4f: {  	[sflag:s7] =	ssyncset.done $0x0  }
0x50: {  	[sflag:s7] =	ssyncadd.s32 $0xFFFF3000  }
0x51: {  	_ =	sfence.sel $0x180000  }
0x52: {  	[bflag:$0x0] =	sbarrier.arrive $0xFFFF  }
0x53: {  	p0 =	sne.s32 s2, $0x0;
	_ =	strace $0x90000047  }
0x54: {  	s0 =	sadd.s32 @!p0 $0x100000, s0;
	[bflag:$0x2] =	sbarrier.arrive $0xFFFF  }
0x55: {  	[sflag:s0] =	ssyncadd.tile.s32 @!p0 $0x1;
	_ =	shalt  }
.Lfunc_end2:
_tile_overlayer_lowered:
.L_overlay_start_2:
0x56: {  	(tag) =	ssettag $0x2  }
0x57: {  	s0 =	rddreg [dreg:$0x0];
	s2 =	stileid.u32  }
0x58: {  	s1 =	rddreg [dreg:$0x1];
	p0 =	sne.s32 s2, $0x0  }
0x59: {  	s3 =	rddreg [dreg:$0x2];
	[bflag:$0x3] =	sbarrier.arrive $0xFFFF;
	s2 =	simm.s32 @!p0 $0x1C01  }
0x5a: {  	[timem:s3], [sflag:s2] =	dma.local @!p0 [hbm:s0], s1  }
0x5b: {  	s0 =	simm.s32 @!p0 $0x1  }
0x5c: {  	_ =	swait.ge @!p0 [sflag:s0], s1  }
0x5d: {  	s1 =	ssub.s32 @!p0 $0x0, s1;
	[sflag:s0] =	ssyncset.done @!p0 $0x0  }
0x5e: {  	[sflag:s0] =	ssyncadd.s32 @!p0 s1  }
0x5f: {  	[bflag:$0x3] =	sbarrier.arrive $0xFFFF  }
0x60: {  	_ =	shalt  }

</sc_bundles>
